<compile_context>
chip_gen: v7x
topology: tpu7x:2x2x1
jax: 0.10.2.dev20260603
libtpu: 0.0.44.dev20260713+nightly
codegen_flags: <defaults>
</compile_context>

<pallas_src>
import dataclasses
import functools

import jax
import jax.numpy as jnp
from jax import lax
from jax.experimental import pallas as pl
from jax.experimental.pallas import tpu as pltpu
from jax.experimental.pallas import tpu_sc as plsc

_NUM_SC_CORES = 2
_NUM_SC_SUBCORES = 16
_SC_LANES = 16


def _sc_present(gs_flat, rowoff, zeros_c, B, V, L):
    NW = _NUM_SC_CORES * _NUM_SC_SUBCORES
    RP = B // NW
    CH = RP * V
    NI = RP * L
    mesh = plsc.VectorSubcoreMesh(core_axis_name="c", subcore_axis_name="s")
    cp = pltpu.CompilerParams()
    if "needs_layout_passes" in pltpu.CompilerParams.__dataclass_fields__:
        cp = dataclasses.replace(cp, needs_layout_passes=False)

    @functools.partial(
        pl.kernel,
        out_type=jax.ShapeDtypeStruct((B * V,), jnp.float32),
        mesh=mesh,
        compiler_params=cp,
        scratch_types=[
            pltpu.VMEM((CH,), jnp.float32),
            pltpu.VMEM((NI,), jnp.int32),
            pltpu.VMEM((NI,), jnp.int32),
        ],
    )
    def k(idx_hbm, off_hbm, z_hbm, out_hbm, buf, idxv, offv):
        wid = lax.axis_index("s") * _NUM_SC_CORES + lax.axis_index("c")
        ones = jnp.ones((_SC_LANES,), jnp.float32)
        lo = jnp.zeros((_SC_LANES,), jnp.int32)
        hi = jnp.full((_SC_LANES,), V - 1, jnp.int32)

        pltpu.sync_copy(idx_hbm.at[pl.ds(wid * NI, NI)], idxv)
        pltpu.sync_copy(off_hbm.at[pl.ds(0, NI)], offv)
        pltpu.sync_copy(z_hbm.at[pl.ds(0, CH)], buf)

        @pl.loop(0, NI, step=_SC_LANES)
        def _(j):
            g = jnp.minimum(jnp.maximum(idxv[pl.ds(j, _SC_LANES)], lo), hi)
            plsc.store_scatter(buf, [g + offv[pl.ds(j, _SC_LANES)]], ones)

        pltpu.sync_copy(buf, out_hbm.at[pl.ds(wid * CH, CH)])

    return k(gs_flat, rowoff, zeros_c)


def _tc_mega(sp, sl, present, eos_arr, BB):
    B, L, V = sl.shape
    VN = sp.shape[1]
    NVF = VN // V
    inv_v = 1.0 / V

    def body(sp_ref, sl_ref, pr_ref, eos_ref, ent_ref, sle_ref, loss_ref,
             g_ref, skip_ref):
        i = pl.program_id(0)

        @pl.when(i == 0)
        def _():
            r = lax.broadcasted_iota(jnp.int32, (VN, V), 0)
            c = lax.broadcasted_iota(jnp.int32, (VN, V), 1)
            g_ref[...] = ((r // NVF) == c).astype(jnp.bfloat16)
            skip_ref[...] = pr_ref[...].min(axis=0, keepdims=True)

        p0 = sp_ref[...]
        t = (p0 * jnp.log(p0)).astype(jnp.bfloat16)
        ent_ref[...] = -lax.dot_general(
            t, g_ref[...], (((1,), (0,)), ((), ())),
            preferred_element_type=jnp.float32)

        x = sl_ref[...]
        mn = x.min(axis=2, keepdims=True)
        em = (lax.broadcasted_iota(jnp.int32, (1, 1, V), 2) == eos_ref[0])
        xs = jnp.where(em, mn, x)
        m = xs.max(axis=1)
        mx = m.max(axis=1, keepdims=True)
        z = m - mx
        e = jnp.exp(z)
        s = e.sum(axis=1, keepdims=True)
        p = e / s
        logp = z - jnp.log(s)
        sle_ref[...] = (-(p * logp).sum(axis=1, keepdims=True)).reshape(1, BB)
        u = 1.0 - p
        mask = pr_ref[pl.ds(i * BB, BB), :] * (1.0 - skip_ref[...])
        loss_ref[...] = ((mask * (u * u)).sum(axis=1, keepdims=True)
                         * inv_v).reshape(1, BB)

    return pl.pallas_call(
        body,
        grid=(B // BB,),
        in_specs=[
            pl.BlockSpec((BB, VN), lambda i: (i, 0)),
            pl.BlockSpec((BB, L, V), lambda i: (i, 0, 0)),
            pl.BlockSpec((B, V), lambda i: (0, 0)),
            pl.BlockSpec(memory_space=pltpu.SMEM),
        ],
        out_specs=[
            pl.BlockSpec((BB, V), lambda i: (i, 0)),
            pl.BlockSpec((1, BB), lambda i: (0, i)),
            pl.BlockSpec((1, BB), lambda i: (0, i)),
        ],
        out_shape=[
            jax.ShapeDtypeStruct((B, V), jnp.float32),
            jax.ShapeDtypeStruct((1, B), jnp.float32),
            jax.ShapeDtypeStruct((1, B), jnp.float32),
        ],
        scratch_shapes=[
            pltpu.VMEM((VN, V), jnp.bfloat16),
            pltpu.VMEM((1, V), jnp.float32),
        ],
    )(sp, sl, present, eos_arr)


def kernel(sentences_logits, visual_features, text_features, semantic_prior,
           semantic_prior_logits, grounding_signal, eos_idx):
    B, L, V = sentences_logits.shape
    ntf = text_features.shape[1]

    NW = _NUM_SC_CORES * _NUM_SC_SUBCORES
    RP = B // NW
    gs_flat = grounding_signal.reshape(B * L)
    rowoff = jnp.repeat(jnp.arange(RP, dtype=jnp.int32) * ntf, L)
    zeros_c = jnp.zeros((RP * ntf,), jnp.float32)

    present = _sc_present(gs_flat, rowoff, zeros_c, B, ntf, L).reshape(B, ntf)

    sp_flat = semantic_prior.reshape(B, -1)
    eos_arr = jnp.asarray(eos_idx, jnp.int32).reshape(1)
    entropy, sle, sentences_loss = _tc_mega(sp_flat, sentences_logits,
                                            present, eos_arr, BB=128)

    loss = jnp.zeros((B, ntf), jnp.float32)
    return (loss, sentences_loss.reshape(B), entropy, sle.reshape(B))

# --- scband reference (transcript-rebuilt; emitter-appended) ---
"""Pipeline reference for scband-co-occurrence-semantic-grounding-loss-module-27934467293591 (READ-ONLY COPY).

The authoritative reference and input builder live on the scoring server;
editing this copy changes nothing except your own understanding.
"""

import jax, jax.numpy as jnp
import numpy as np


def setup_inputs(seed: int = 0) -> dict:
    key = jax.random.key(seed)
    ks = jax.random.split(key, 6)
    B, L, V, NVF, D = 1024, 20, 128, 64, 256
    sentences_logits = jax.random.normal(ks[0], (B, L, V), dtype=jnp.float32)
    visual_features = jax.random.normal(ks[1], (B, NVF, D), dtype=jnp.float32)
    text_features = jax.random.normal(ks[2], (B, V, D), dtype=jnp.float32)
    sp = jax.random.uniform(ks[3], (B, V, NVF), dtype=jnp.float32) + 1e-3
    semantic_prior = sp / sp.sum(axis=-1, keepdims=True)
    semantic_prior_logits = jax.random.normal(ks[4], (B, V, NVF), dtype=jnp.float32)
    grounding_signal = jax.random.randint(ks[5], (B, L, 1), 0, V, dtype=jnp.int32)
    return {
        'sentences_logits': sentences_logits,
        'visual_features': visual_features,
        'text_features': text_features,
        'semantic_prior': semantic_prior,
        'semantic_prior_logits': semantic_prior_logits,
        'grounding_signal': grounding_signal,
        'eos_idx': 0,
    }


def reference(sentences_logits, visual_features, text_features, semantic_prior,
              semantic_prior_logits, grounding_signal, eos_idx):
    B = visual_features.shape[0]
    nbr_visual_features = visual_features.shape[1]
    nbr_text_features = text_features.shape[1]

    # Categorical(probs=semantic_prior).entropy()
    entropy = -(semantic_prior * jnp.log(semantic_prior)).sum(axis=-1)

    gs = grounding_signal.squeeze(-1).reshape(B, -1)  # [B, max_sentence_length]

    # sentences_logits[..., eos_idx] = sentences_logits.min(dim=-1)[0]
    mn = sentences_logits.min(axis=-1)
    sl = sentences_logits.at[..., eos_idx].set(mn)
    # max over sequence dim
    sentences_mean_logits = sl.max(axis=1)
    sentences_mean_probs = jax.nn.softmax(sentences_mean_logits, axis=-1)
    logp = jax.nn.log_softmax(sentences_mean_logits, axis=-1)
    sentence_level_entropy = -(sentences_mean_probs * logp).sum(axis=-1)

    # vectorized form of the per-text-feature loop (sentence_level_grounding=True,
    # sentence_level_ungrounding=False, noise_magnitude=0 => postarget=1.0)
    present = (gs[:, :, None] == jnp.arange(nbr_text_features)[None, None, :]).any(axis=1)  # [B, ntf]
    skip = present.all(axis=0)  # tfidx present in every batch row -> continue
    sentences_mask = (present & (~skip)[None, :]).astype(jnp.float32)
    sentences_targets_logits = sentences_mask * 1.0  # postarget = 1.0 written where mask=1

    # semantic_level_grounding=False branch
    loss = jnp.zeros_like(semantic_prior).sum(axis=-1)  # [B, ntf]

    sentences_loss = (sentences_mask * jnp.square(sentences_targets_logits - sentences_mean_probs)).mean(axis=-1)  # [B]

    return loss, sentences_loss, entropy, sentence_level_entropy

if __name__ == "__main__":
    import jax
    _d = setup_inputs()
    print(jax.jit(kernel)(*tuple(_d.values())))

</pallas_src>

<mosaic_0001>
#map = affine_map<(d0, d1) -> (0)>
module attributes {stable_mosaic.version = 14 : i64} {
  func.func @k(%arg0: i32, %arg1: i32, %arg2: memref<20480xi32, #tpu.memory_space<hbm>>, %arg3: memref<640xi32, #tpu.memory_space<hbm>>, %arg4: memref<4096xf32, #tpu.memory_space<hbm>>, %arg5: memref<131072xf32, #tpu.memory_space<hbm>>, %arg6: memref<4096xf32, #tpu.memory_space<vmem>>, %arg7: memref<640xi32, #tpu.memory_space<vmem>>, %arg8: memref<640xi32, #tpu.memory_space<vmem>>) attributes {dimension_semantics = [#tpu.dimension_semantics<core_parallel>, #tpu.dimension_semantics<subcore_parallel>], iteration_bounds = array<i64: 2, 16>, scalar_prefetch = 0 : i64, scratch_operands = 3 : i64, tpu.core_type = #tpu.core_type<sc_vector_subcore>, window_params = [{transform_indices = #map}, {transform_indices = #map}, {transform_indices = #map}, {transform_indices = #map}]} {
    %mul3A = arith.constant 2 : i32
    %mul3A_0 = arith.muli %arg1, %mul3A : i32
    %add3A = arith.addi %mul3A_0, %arg0 : i32
    %broadcast_in_dim3A = arith.constant 1.000000e+00 : f32
    %broadcast_in_dim3A_1 = vector.broadcast %broadcast_in_dim3A : f32 to vector<16xf32>
    %broadcast_in_dim3A_2 = arith.constant 0 : i32
    %broadcast_in_dim3A_3 = vector.broadcast %broadcast_in_dim3A_2 : i32 to vector<16xi32>
    %broadcast_in_dim3A_4 = arith.constant 127 : i32
    %broadcast_in_dim3A_5 = vector.broadcast %broadcast_in_dim3A_4 : i32 to vector<16xi32>
    %mul3A_6 = arith.constant 640 : i32
    %mul3A_7 = arith.muli %add3A, %mul3A_6 : i32
    "tpu.region"() ({
      %run_scoped3A = tpu.sem_alloc : memref<!tpu.dma_semaphore, #tpu.memory_space<semaphore_mem>>
      %dma_start3A = tpu.memref_slice %arg2[%mul3A_7] : memref<20480xi32, #tpu.memory_space<hbm>> -> memref<640xi32, #tpu.memory_space<hbm>>
      %dma_start3A_14 = tpu.memref_slice %arg2[%mul3A_7] : memref<20480xi32, #tpu.memory_space<hbm>> -> memref<640xi32, #tpu.memory_space<hbm>>
      tpu.enqueue_dma source(%dma_start3A_14 : memref<640xi32, #tpu.memory_space<hbm>>) target(%arg7 : memref<640xi32, #tpu.memory_space<vmem>>) target_semaphore(%run_scoped3A : memref<!tpu.dma_semaphore, #tpu.memory_space<semaphore_mem>>)
      %dma_wait3A = tpu.memref_slice %arg2[%mul3A_7] : memref<20480xi32, #tpu.memory_space<hbm>> -> memref<640xi32, #tpu.memory_space<hbm>>
      %dma_wait3A_15 = tpu.memref_slice %arg2[%mul3A_7] : memref<20480xi32, #tpu.memory_space<hbm>> -> memref<640xi32, #tpu.memory_space<hbm>>
      tpu.wait_dma2 semaphore(%run_scoped3A : memref<!tpu.dma_semaphore, #tpu.memory_space<semaphore_mem>>) src(%dma_wait3A_15 : memref<640xi32, #tpu.memory_space<hbm>>) dst(%arg7 : memref<640xi32, #tpu.memory_space<vmem>>)
      tpu.yield
    }) : () -> ()
    "tpu.region"() ({
      %run_scoped3A = tpu.sem_alloc : memref<!tpu.dma_semaphore, #tpu.memory_space<semaphore_mem>>
      %dma_start3A = arith.constant 0 : i32
      %dma_start3A_14 = tpu.memref_slice %arg3[%dma_start3A] : memref<640xi32, #tpu.memory_space<hbm>> -> memref<640xi32, #tpu.memory_space<hbm>>
      %dma_start3A_15 = arith.constant 0 : i32
      %dma_start3A_16 = tpu.memref_slice %arg3[%dma_start3A_15] : memref<640xi32, #tpu.memory_space<hbm>> -> memref<640xi32, #tpu.memory_space<hbm>>
      tpu.enqueue_dma source(%dma_start3A_16 : memref<640xi32, #tpu.memory_space<hbm>>) target(%arg8 : memref<640xi32, #tpu.memory_space<vmem>>) target_semaphore(%run_scoped3A : memref<!tpu.dma_semaphore, #tpu.memory_space<semaphore_mem>>)
      %dma_wait3A = arith.constant 0 : i32
      %dma_wait3A_17 = tpu.memref_slice %arg3[%dma_wait3A] : memref<640xi32, #tpu.memory_space<hbm>> -> memref<640xi32, #tpu.memory_space<hbm>>
      %dma_wait3A_18 = arith.constant 0 : i32
      %dma_wait3A_19 = tpu.memref_slice %arg3[%dma_wait3A_18] : memref<640xi32, #tpu.memory_space<hbm>> -> memref<640xi32, #tpu.memory_space<hbm>>
      tpu.wait_dma2 semaphore(%run_scoped3A : memref<!tpu.dma_semaphore, #tpu.memory_space<semaphore_mem>>) src(%dma_wait3A_19 : memref<640xi32, #tpu.memory_space<hbm>>) dst(%arg8 : memref<640xi32, #tpu.memory_space<vmem>>)
      tpu.yield
    }) : () -> ()
    "tpu.region"() ({
      %run_scoped3A = tpu.sem_alloc : memref<!tpu.dma_semaphore, #tpu.memory_space<semaphore_mem>>
      %dma_start3A = arith.constant 0 : i32
      %dma_start3A_14 = tpu.memref_slice %arg4[%dma_start3A] : memref<4096xf32, #tpu.memory_space<hbm>> -> memref<4096xf32, #tpu.memory_space<hbm>>
      %dma_start3A_15 = arith.constant 0 : i32
      %dma_start3A_16 = tpu.memref_slice %arg4[%dma_start3A_15] : memref<4096xf32, #tpu.memory_space<hbm>> -> memref<4096xf32, #tpu.memory_space<hbm>>
      tpu.enqueue_dma source(%dma_start3A_16 : memref<4096xf32, #tpu.memory_space<hbm>>) target(%arg6 : memref<4096xf32, #tpu.memory_space<vmem>>) target_semaphore(%run_scoped3A : memref<!tpu.dma_semaphore, #tpu.memory_space<semaphore_mem>>)
      %dma_wait3A = arith.constant 0 : i32
      %dma_wait3A_17 = tpu.memref_slice %arg4[%dma_wait3A] : memref<4096xf32, #tpu.memory_space<hbm>> -> memref<4096xf32, #tpu.memory_space<hbm>>
      %dma_wait3A_18 = arith.constant 0 : i32
      %dma_wait3A_19 = tpu.memref_slice %arg4[%dma_wait3A_18] : memref<4096xf32, #tpu.memory_space<hbm>> -> memref<4096xf32, #tpu.memory_space<hbm>>
      tpu.wait_dma2 semaphore(%run_scoped3A : memref<!tpu.dma_semaphore, #tpu.memory_space<semaphore_mem>>) src(%dma_wait3A_19 : memref<4096xf32, #tpu.memory_space<hbm>>) dst(%arg6 : memref<4096xf32, #tpu.memory_space<vmem>>)
      tpu.yield
    }) : () -> ()
    %scan3A = arith.constant 0 : i32
    %scan3A_8 = arith.constant 40 : i32
    %scan3A_9 = arith.addi %scan3A, %scan3A_8 : i32
    %scan3A_10 = arith.constant 1 : i32
    scf.for %scan3A_14 = %scan3A to %scan3A_9 step %scan3A_10  : i32 {
      %mul3A_15 = arith.constant 16 : i32
      %mul3A_16 = arith.muli %scan3A_14, %mul3A_15 : i32
      %add3A_17 = arith.constant 0 : i32
      %add3A_18 = arith.addi %add3A_17, %mul3A_16 : i32
      %get3A = arith.index_cast %add3A_18 : i32 to index
      %get3A_19 = tpu.vector_load %arg7[%get3A] {strides = array<i32>} : memref<640xi32, #tpu.memory_space<vmem>>, vector<16xi32>,
      %max3A = arith.maxsi %get3A_19, %broadcast_in_dim3A_3 : vector<16xi32>
      %min3A = arith.minsi %max3A, %broadcast_in_dim3A_5 : vector<16xi32>
      %get3A_20 = arith.index_cast %add3A_18 : i32 to index
      %get3A_21 = tpu.vector_load %arg8[%get3A_20] {strides = array<i32>} : memref<640xi32, #tpu.memory_space<vmem>>, vector<16xi32>,
      %add3A_22 = arith.addi %min3A, %get3A_21 : vector<16xi32>
      tpu.vector_store_idx %arg6[%add3A_22], %broadcast_in_dim3A_1 : memref<4096xf32, #tpu.memory_space<vmem>>[vector<16xi32>], vector<16xf32>,
    }
    %scan3A_11 = arith.constant 40 : i32
    %mul3A_12 = arith.constant 4096 : i32
    %mul3A_13 = arith.muli %add3A, %mul3A_12 : i32
    "tpu.region"() ({
      %run_scoped3A = tpu.sem_alloc : memref<!tpu.dma_semaphore, #tpu.memory_space<semaphore_mem>>
      %dma_start3A = tpu.memref_slice %arg5[%mul3A_13] : memref<131072xf32, #tpu.memory_space<hbm>> -> memref<4096xf32, #tpu.memory_space<hbm>>
      %dma_start3A_14 = tpu.memref_slice %arg5[%mul3A_13] : memref<131072xf32, #tpu.memory_space<hbm>> -> memref<4096xf32, #tpu.memory_space<hbm>>
      tpu.enqueue_dma source(%arg6 : memref<4096xf32, #tpu.memory_space<vmem>>) target(%dma_start3A_14 : memref<4096xf32, #tpu.memory_space<hbm>>) target_semaphore(%run_scoped3A : memref<!tpu.dma_semaphore, #tpu.memory_space<semaphore_mem>>)
      %dma_wait3A = tpu.memref_slice %arg5[%mul3A_13] : memref<131072xf32, #tpu.memory_space<hbm>> -> memref<4096xf32, #tpu.memory_space<hbm>>
      %dma_wait3A_15 = tpu.memref_slice %arg5[%mul3A_13] : memref<131072xf32, #tpu.memory_space<hbm>> -> memref<4096xf32, #tpu.memory_space<hbm>>
      tpu.wait_dma2 semaphore(%run_scoped3A : memref<!tpu.dma_semaphore, #tpu.memory_space<semaphore_mem>>) src(%arg6 : memref<4096xf32, #tpu.memory_space<vmem>>) dst(%dma_wait3A_15 : memref<4096xf32, #tpu.memory_space<hbm>>)
      tpu.yield
    }) : () -> ()
    return
  }
}

module attributes {stable_mosaic.version = 14 : i64} {
  func.func @body(%arg0: i32, %arg1: memref<128x8192xf32, #tpu.memory_space<vmem>>, %arg2: memref<128x20x128xf32, #tpu.memory_space<vmem>>, %arg3: memref<1024x128xf32, #tpu.memory_space<vmem>>, %arg4: memref<1xi32, #tpu.memory_space<smem>>, %arg5: memref<128x128xf32, #tpu.memory_space<vmem>>, %arg6: memref<1x128xf32, #tpu.memory_space<vmem>>, %arg7: memref<1x128xf32, #tpu.memory_space<vmem>>, %arg8: memref<8192x128xbf16, #tpu.memory_space<vmem>>, %arg9: memref<1x128xf32, #tpu.memory_space<vmem>>) attributes {dimension_semantics = [#tpu.dimension_semantics<arbitrary>], iteration_bounds = array<i64: 8>, scalar_prefetch = 0 : i64, scratch_operands = 2 : i64, tpu.core_type = #tpu.core_type<tc>, window_params = [{transform_indices = @transform_0, window_bounds = array<i64: 128, 8192>}, {transform_indices = @transform_1, window_bounds = array<i64: 128, 20, 128>}, {pipeline_mode = #tpu.pipeline_mode<synchronous>, transform_indices = @transform_2, window_bounds = array<i64: 1024, 128>}, {transform_indices = @transform_3, window_bounds = array<i64: 1>}, {transform_indices = @transform_4, window_bounds = array<i64: 128, 128>}, {transform_indices = @transform_5, window_bounds = array<i64: 1, 128>}, {transform_indices = @transform_6, window_bounds = array<i64: 1, 128>}]} {
    %eq3A = arith.constant 0 : i32
    %eq3A_0 = arith.cmpi eq, %arg0, %eq3A : i32
    %convert_element_type3A = arith.extui %eq3A_0 : i1 to i32
    %cond3A = arith.constant 0 : i32
    %cond3A_1 = arith.cmpi ne, %convert_element_type3A, %cond3A : i32
    scf.if %cond3A_1 {
      %iota3A_75 = tpu.iota {dimensions = array<i32: 0>} : vector<8192x128xi32>
      %iota3A_76 = tpu.iota {dimensions = array<i32: 1>} : vector<8192x128xi32>
      %jit3A = arith.constant 64 : i32
      %div3A_77 = vector.broadcast %jit3A : i32 to vector<8192x128xi32>
      %div3A_78 = arith.divsi %iota3A_75, %div3A_77 : vector<8192x128xi32>
      %sign3A = arith.constant 0 : i32
      %sign3A_79 = vector.broadcast %sign3A : i32 to vector<8192x128xi32>
      %sign3A_80 = arith.cmpi sgt, %iota3A_75, %sign3A_79 : vector<8192x128xi32>
      %sign3A_81 = arith.extui %sign3A_80 : vector<8192x128xi1> to vector<8192x128xi32>
      %sign3A_82 = arith.constant 0 : i32
      %sign3A_83 = vector.broadcast %sign3A_82 : i32 to vector<8192x128xi32>
      %sign3A_84 = arith.cmpi slt, %iota3A_75, %sign3A_83 : vector<8192x128xi32>
      %sign3A_85 = arith.extui %sign3A_84 : vector<8192x128xi1> to vector<8192x128xi32>
      %sign3A_86 = arith.subi %sign3A_81, %sign3A_85 : vector<8192x128xi32>
      %sign3A_87 = arith.constant 0 : i32
      %sign3A_88 = arith.cmpi sgt, %jit3A, %sign3A_87 : i32
      %sign3A_89 = arith.extui %sign3A_88 : i1 to i32
      %sign3A_90 = arith.constant 0 : i32
      %sign3A_91 = arith.cmpi slt, %jit3A, %sign3A_90 : i32
      %sign3A_92 = arith.extui %sign3A_91 : i1 to i32
      %sign3A_93 = arith.subi %sign3A_89, %sign3A_92 : i32
      %ne3A = vector.broadcast %sign3A_93 : i32 to vector<8192x128xi32>
      %ne3A_94 = arith.cmpi ne, %sign3A_86, %ne3A : vector<8192x128xi32>
      %rem3A = vector.broadcast %jit3A : i32 to vector<8192x128xi32>
      %rem3A_95 = arith.remsi %iota3A_75, %rem3A : vector<8192x128xi32>
      %ne3A_96 = arith.constant 0 : i32
      %ne3A_97 = vector.broadcast %ne3A_96 : i32 to vector<8192x128xi32>
      %ne3A_98 = arith.cmpi ne, %rem3A_95, %ne3A_97 : vector<8192x128xi32>
      %and3A = arith.andi %ne3A_94, %ne3A_98 : vector<8192x128xi1>
      %sub3A_99 = arith.constant 1 : i32
      %sub3A_100 = vector.broadcast %sub3A_99 : i32 to vector<8192x128xi32>
      %sub3A_101 = arith.subi %div3A_78, %sub3A_100 : vector<8192x128xi32>
      %select_n3A_102 = arith.select %and3A, %sub3A_101, %div3A_78 : vector<8192x128xi1>, vector<8192x128xi32>
      %eq3A_103 = arith.cmpi eq, %select_n3A_102, %iota3A_76 : vector<8192x128xi32>
      %convert_element_type3A_104 = arith.extui %eq3A_103 : vector<8192x128xi1> to vector<8192x128xi32>
      %convert_element_type3A_105 = arith.sitofp %convert_element_type3A_104 : vector<8192x128xi32> to vector<8192x128xf32>
      %convert_element_type3A_106 = arith.truncf %convert_element_type3A_105 : vector<8192x128xf32> to vector<8192x128xbf16>
      %swap3A_107 = arith.constant 0 : index
      %swap3A_108 = arith.constant 0 : index
      %swap3A_109 = vector.load %arg8[%swap3A_107, %swap3A_108] : memref<8192x128xbf16, #tpu.memory_space<vmem>>, vector<8192x128xbf16>
      tpu.vector_store %arg8[%swap3A_107, %swap3A_108], %convert_element_type3A_106 {strides = array<i32>} : memref<8192x128xbf16, #tpu.memory_space<vmem>>, vector<8192x128xbf16>,
      %get3A_110 = arith.constant 0 : index
      %get3A_111 = arith.constant 0 : index
      %get3A_112 = vector.load %arg3[%get3A_110, %get3A_111] : memref<1024x128xf32, #tpu.memory_space<vmem>>, vector<1024x128xf32>
      %reduce_min3A_113 = arith.constant dense<0x7F800000> : vector<128xf32>
      %reduce_min3A_114 = vector.multi_reduction <minimumf>, %get3A_112, %reduce_min3A_113 [0] : vector<1024x128xf32> to vector<128xf32>
      %broadcast_in_dim3A_115 = vector.shape_cast %reduce_min3A_114 : vector<128xf32> to vector<1x128xf32>
      %swap3A_116 = arith.constant 0 : index
      %swap3A_117 = arith.constant 0 : index
      %swap3A_118 = vector.load %arg9[%swap3A_116, %swap3A_117] : memref<1x128xf32, #tpu.memory_space<vmem>>, vector<1x128xf32>
      tpu.vector_store %arg9[%swap3A_116, %swap3A_117], %broadcast_in_dim3A_115 {strides = array<i32>} : memref<1x128xf32, #tpu.memory_space<vmem>>, vector<1x128xf32>,
    } else {
    }
    %get3A = arith.constant 0 : index
    %get3A_2 = arith.constant 0 : index
    %get3A_3 = vector.load %arg1[%get3A, %get3A_2] : memref<128x8192xf32, #tpu.memory_space<vmem>>, vector<128x8192xf32>
    %log3A = math.log %get3A_3 : vector<128x8192xf32>
    %mul3A = arith.mulf %get3A_3, %log3A : vector<128x8192xf32>
    %convert_element_type3A_4 = arith.truncf %mul3A : vector<128x8192xf32> to vector<128x8192xbf16>
    %get3A_5 = arith.constant 0 : index
    %get3A_6 = arith.constant 0 : index
    %get3A_7 = vector.load %arg8[%get3A_5, %get3A_6] : memref<8192x128xbf16, #tpu.memory_space<vmem>>, vector<8192x128xbf16>
    %dot_general3A = arith.constant dense<0.000000e+00> : vector<128x128xf32>
    %dot_general3A_8 = tpu.matmul %convert_element_type3A_4, %get3A_7, %dot_general3A {dimension_numbers = #tpu.dot_dimension_numbers<[1], [0], [0], [1], [0, 0, 1, 1], [], []>, transpose_lhs_hint = false} : vector<128x8192xbf16>, vector<8192x128xbf16>, vector<128x128xf32> -> vector<128x128xf32>
    %neg3A = arith.constant 0.000000e+00 : f32
    %neg3A_9 = vector.broadcast %neg3A : f32 to vector<128x128xf32>
    %neg3A_10 = arith.subf %neg3A_9, %dot_general3A_8 : vector<128x128xf32>
    %swap3A = arith.constant 0 : index
    %swap3A_11 = arith.constant 0 : index
    %swap3A_12 = vector.load %arg5[%swap3A, %swap3A_11] : memref<128x128xf32, #tpu.memory_space<vmem>>, vector<128x128xf32>
    tpu.vector_store %arg5[%swap3A, %swap3A_11], %neg3A_10 {strides = array<i32>} : memref<128x128xf32, #tpu.memory_space<vmem>>, vector<128x128xf32>,
    %get3A_13 = arith.constant 0 : index
    %get3A_14 = arith.constant 0 : index
    %get3A_15 = arith.constant 0 : index
    %get3A_16 = vector.load %arg2[%get3A_13, %get3A_14, %get3A_15] : memref<128x20x128xf32, #tpu.memory_space<vmem>>, vector<128x20x128xf32>
    %reduce_min3A = arith.constant dense<0x7F800000> : vector<128x20xf32>
    %reduce_min3A_17 = vector.multi_reduction <minimumf>, %get3A_16, %reduce_min3A [2] : vector<128x20x128xf32> to vector<128x20xf32>
    %broadcast_in_dim3A = vector.shape_cast %reduce_min3A_17 : vector<128x20xf32> to vector<128x20x1xf32>
    %iota3A = tpu.iota {dimensions = array<i32: 2>} : vector<1x1x128xi32>
    %get3A_18 = arith.constant 0 : index
    %get3A_19 = memref.load %arg4[%get3A_18] : memref<1xi32, #tpu.memory_space<smem>>
    %eq3A_20 = vector.broadcast %get3A_19 : i32 to vector<1x1x128xi32>
    %eq3A_21 = arith.cmpi eq, %iota3A, %eq3A_20 : vector<1x1x128xi32>
    %broadcast_in_dim3A_22 = vector.shape_cast %eq3A_21 : vector<1x1x128xi1> to vector<1x1x128xi1>
    %broadcast_in_dim3A_23 = vector.broadcast %broadcast_in_dim3A_22 : vector<1x1x128xi1> to vector<128x20x128xi1>
    %broadcast_in_dim3A_24 = vector.shape_cast %broadcast_in_dim3A : vector<128x20x1xf32> to vector<128x20x1xf32>
    %broadcast_in_dim3A_25 = vector.broadcast %broadcast_in_dim3A_24 : vector<128x20x1xf32> to vector<128x20x128xf32>
    %select_n3A = arith.select %broadcast_in_dim3A_23, %broadcast_in_dim3A_25, %get3A_16 : vector<128x20x128xi1>, vector<128x20x128xf32>
    %reduce_max3A = arith.constant dense<0xFF800000> : vector<128x128xf32>
    %reduce_max3A_26 = vector.multi_reduction <maximumf>, %select_n3A, %reduce_max3A [1] : vector<128x20x128xf32> to vector<128x128xf32>
    %reduce_max3A_27 = arith.constant dense<0xFF800000> : vector<128xf32>
    %reduce_max3A_28 = vector.multi_reduction <maximumf>, %reduce_max3A_26, %reduce_max3A_27 [1] : vector<128x128xf32> to vector<128xf32>
    %broadcast_in_dim3A_29 = vector.shape_cast %reduce_max3A_28 : vector<128xf32> to vector<128x1xf32>
    %sub3A = vector.broadcast %broadcast_in_dim3A_29 : vector<128x1xf32> to vector<128x128xf32>
    %sub3A_30 = arith.subf %reduce_max3A_26, %sub3A : vector<128x128xf32>
    %exp3A = math.exp %sub3A_30 : vector<128x128xf32>
    %reduce_sum3A = arith.constant dense<0.000000e+00> : vector<128xf32>
    %reduce_sum3A_31 = vector.multi_reduction <add>, %exp3A, %reduce_sum3A [1] : vector<128x128xf32> to vector<128xf32>
    %broadcast_in_dim3A_32 = vector.shape_cast %reduce_sum3A_31 : vector<128xf32> to vector<128x1xf32>
    %div3A = vector.broadcast %broadcast_in_dim3A_32 : vector<128x1xf32> to vector<128x128xf32>
    %div3A_33 = arith.divf %exp3A, %div3A : vector<128x128xf32>
    %log3A_34 = math.log %broadcast_in_dim3A_32 : vector<128x1xf32>
    %sub3A_35 = vector.broadcast %log3A_34 : vector<128x1xf32> to vector<128x128xf32>
    %sub3A_36 = arith.subf %sub3A_30, %sub3A_35 : vector<128x128xf32>
    %mul3A_37 = arith.mulf %div3A_33, %sub3A_36 : vector<128x128xf32>
    %reduce_sum3A_38 = arith.constant dense<0.000000e+00> : vector<128xf32>
    %reduce_sum3A_39 = vector.multi_reduction <add>, %mul3A_37, %reduce_sum3A_38 [1] : vector<128x128xf32> to vector<128xf32>
    %broadcast_in_dim3A_40 = vector.shape_cast %reduce_sum3A_39 : vector<128xf32> to vector<128x1xf32>
    %neg3A_41 = arith.constant 0.000000e+00 : f32
    %neg3A_42 = vector.broadcast %neg3A_41 : f32 to vector<128x1xf32>
    %neg3A_43 = arith.subf %neg3A_42, %broadcast_in_dim3A_40 : vector<128x1xf32>
    %reshape3A = vector.shape_cast %neg3A_43 : vector<128x1xf32> to vector<1x128xf32>
    %swap3A_44 = arith.constant 0 : index
    %swap3A_45 = arith.constant 0 : index
    %swap3A_46 = vector.load %arg6[%swap3A_44, %swap3A_45] : memref<1x128xf32, #tpu.memory_space<vmem>>, vector<1x128xf32>
    tpu.vector_store %arg6[%swap3A_44, %swap3A_45], %reshape3A {strides = array<i32>} : memref<1x128xf32, #tpu.memory_space<vmem>>, vector<1x128xf32>,
    %sub3A_47 = arith.constant 1.000000e+00 : f32
    %sub3A_48 = vector.broadcast %sub3A_47 : f32 to vector<128x128xf32>
    %sub3A_49 = arith.subf %sub3A_48, %div3A_33 : vector<128x128xf32>
    %mul3A_50 = arith.constant 128 : i32
    %mul3A_51 = arith.muli %arg0, %mul3A_50 : i32
    %get3A_52 = arith.index_cast %mul3A_51 : i32 to index
    %get3A_53 = arith.constant 0 : index
    %get3A_54 = vector.load %arg3[%get3A_52, %get3A_53] : memref<1024x128xf32, #tpu.memory_space<vmem>>, vector<128x128xf32>
    %get3A_55 = arith.constant 0 : index
    %get3A_56 = arith.constant 0 : index
    %get3A_57 = vector.load %arg9[%get3A_55, %get3A_56] : memref<1x128xf32, #tpu.memory_space<vmem>>, vector<1x128xf32>
    %sub3A_58 = arith.constant 1.000000e+00 : f32
    %sub3A_59 = vector.broadcast %sub3A_58 : f32 to vector<1x128xf32>
    %sub3A_60 = arith.subf %sub3A_59, %get3A_57 : vector<1x128xf32>
    %mul3A_61 = vector.broadcast %sub3A_60 : vector<1x128xf32> to vector<128x128xf32>
    %mul3A_62 = arith.mulf %get3A_54, %mul3A_61 : vector<128x128xf32>
    %mul3A_63 = arith.mulf %sub3A_49, %sub3A_49 : vector<128x128xf32>
    %mul3A_64 = arith.mulf %mul3A_62, %mul3A_63 : vector<128x128xf32>
    %reduce_sum3A_65 = arith.constant dense<0.000000e+00> : vector<128xf32>
    %reduce_sum3A_66 = vector.multi_reduction <add>, %mul3A_64, %reduce_sum3A_65 [1] : vector<128x128xf32> to vector<128xf32>
    %broadcast_in_dim3A_67 = vector.shape_cast %reduce_sum3A_66 : vector<128xf32> to vector<128x1xf32>
    %mul3A_68 = arith.constant 7.812500e-03 : f32
    %mul3A_69 = vector.broadcast %mul3A_68 : f32 to vector<128x1xf32>
    %mul3A_70 = arith.mulf %broadcast_in_dim3A_67, %mul3A_69 : vector<128x1xf32>
    %reshape3A_71 = vector.shape_cast %mul3A_70 : vector<128x1xf32> to vector<1x128xf32>
    %swap3A_72 = arith.constant 0 : index
    %swap3A_73 = arith.constant 0 : index
    %swap3A_74 = vector.load %arg7[%swap3A_72, %swap3A_73] : memref<1x128xf32, #tpu.memory_space<vmem>>, vector<1x128xf32>
    tpu.vector_store %arg7[%swap3A_72, %swap3A_73], %reshape3A_71 {strides = array<i32>} : memref<1x128xf32, #tpu.memory_space<vmem>>, vector<1x128xf32>,
    return
  }
  func.func @transform_0(%arg0: i32) -> (i32, i32) {
    %c0_i32 = arith.constant 0 : i32
    %c0_i32_0 = arith.constant 0 : i32
    return %arg0, %c0_i32 : i32, i32
  }
  func.func @transform_1(%arg0: i32) -> (i32, i32, i32) {
    %c0_i32 = arith.constant 0 : i32
    %c0_i32_0 = arith.constant 0 : i32
    %c0_i32_1 = arith.constant 0 : i32
    return %arg0, %c0_i32, %c0_i32_0 : i32, i32, i32
  }
  func.func @transform_2(%arg0: i32) -> (i32, i32) {
    %c0_i32 = arith.constant 0 : i32
    %c0_i32_0 = arith.constant 0 : i32
    %c0_i32_1 = arith.constant 0 : i32
    return %c0_i32, %c0_i32_0 : i32, i32
  }
  func.func @transform_3(%arg0: i32) -> i32 {
    %c0_i32 = arith.constant 0 : i32
    %c0_i32_0 = arith.constant 0 : i32
    return %c0_i32 : i32
  }
  func.func @transform_4(%arg0: i32) -> (i32, i32) {
    %c0_i32 = arith.constant 0 : i32
    %c0_i32_0 = arith.constant 0 : i32
    return %arg0, %c0_i32 : i32, i32
  }
  func.func @transform_5(%arg0: i32) -> (i32, i32) {
    %c0_i32 = arith.constant 0 : i32
    %c0_i32_0 = arith.constant 0 : i32
    return %c0_i32, %arg0 : i32, i32
  }
  func.func @transform_6(%arg0: i32) -> (i32, i32) {
    %c0_i32 = arith.constant 0 : i32
    %c0_i32_0 = arith.constant 0 : i32
    return %c0_i32, %arg0 : i32, i32
  }
}

</mosaic_0001>

<sc_bundles>
// kernel: kernel.4.cloned.1.call-start
scs
__scs_entry_jumppad:
0x0: {  	(pc) =	sbr.rel $0x88, $3  }
0x1: {  	(tag) =	ssettag $0x0;
	lr =	simm.s32 $0x1  }
0x2: {  	[smem:$0x3F9D] =	sst lr;
	_ =	strace $0xD0000000  }
0x3: {  	_ = 	snop  }
0x4: {  	_ = 	snop  }
0x5: {  	_ = 	snop  }
0x6: {  	_ = 	snop  }
0x7: {  	_ = 	snop  }
__scs_overlays_trampoline_lowered:
0x8: {  	[smem:$0x3FAC] =	sst s0  }
0x9: {  	[smem:$0x3FAD] =	sst s1  }
0xa: {  	[smem:$0x3FAE] =	sst s2  }
0xb: {  	[smem:$0x3FAF] =	sst s3  }
0xc: {  	[smem:$0x3FB0] =	sst s4  }
0xd: {  	[smem:$0x3FB1] =	sst s5  }
0xe: {  	[smem:$0x3FB2] =	sst s6  }
0xf: {  	[smem:$0x3FB3] =	sst s7  }
0x10: {  	[smem:$0x3FB4] =	sst s8  }
0x11: {  	[smem:$0x3FB5] =	sst s9;
	s0 =	simm.s32 @!p0 $0x0  }
0x12: {  	s1 =	sld [smem:$0x3F9B];
	s0 =	simm.s32 @p0 $0x1  }
0x13: {  	[smem:$0x3FB6] =	sst s0;
	s0 =	simm.s32 @!p1 $0x0  }
0x14: {  	s2 =	sld [smem:$0x3F9A];
	s0 =	simm.s32 @p1 $0x1  }
0x15: {  	[smem:$0x3FB7] =	sst s0;
	s0 =	simm.s32 @!p2 $0x0  }
0x16: {  	s3 =	sld [smem:$0x3FDB];
	s0 =	simm.s32 @p2 $0x1  }
0x17: {  	s4 =	simm.s32 $0x1BF5;
	[smem:$0x3FB9] =	sst s0  }
0x18: {  	s0 =	sld [smem:$0x3F9C];
	_ =	swait.ge [sflag:s4], $0x0  }
0x19: {  	s7 =	sld [smem:$0x3F9D]  }
0x1a: {  	s8 =	sadd.s32 $0xFFFFE003, lr  }
0x1b: {  	s9 =	sadd.s32 $0xFFFFFEF7, lr;
	s5 =	simm.s32 $0xFFFFFFFF;
	p2 =	slt.u32 s8, $0xFFFFF086  }
0x1c: {  	p1 =	slt.u32 s9, $0xF7A;
	s5 =	simm.s32 @!p2 $0x0  }
0x1d: {  	s5 =	simm.s32 @p1 $0x1;
	p0 =	seq.s32 s7, s2  }
0x1e: {  	s7 =	smul.u32 @!p0 $0xF7A, s2;
	p2 =	seq.s32 @!p0 s5, $0x0  }
0x1f: {  	s9 =	smul.u32 $0xF7A, s1;
	s8 =	simm.s32 @!p0 $0x1BF5;
	p2 =	por !p2, p0  }
0x20: {  	[sflag:s8] =	ssyncset.s32 @!p0 $0xFFFFF086;
	s6 =	sadd.s32 @!p0 s3, s7;
	s7 =	simm.s32 @!p0 $0x108  }
0x21: {  	s3 =	sadd.s32 s3, s9;
	s6 =	sadd.s32 @!p0 $0x88, s6;
	s7 =	simm.s32 @p2 $0x1082  }
0x22: {  	[simem:s7], [sflag:s8] =	dma.local @!p0 [hbm:s6], $0xF7A  }
0x23: {  	s9 =	sor.u32 $0xD0000000, s2;
	s6 =	simm.s32 $0x108;
	_ =	swait.ge @!p0 [sflag:s8], $0x0  }
0x24: {  	s3 =	sadd.s32 $0x88, s3;
	s6 =	simm.s32 @!p1 $0x1082;
	[sflag:s4] =	ssyncset.s32 $0xFFFFF086  }
0x25: {  	[simem:s6], [sflag:s4] =	dma.local [hbm:s3], $0xF7A  }
0x26: {  	[smem:$0x3F9D] =	sst s1;
	(tag) =	ssettag s2;
	_ =	strace s9  }
0x27: {  	s1 =	sld [smem:$0x3FAD]  }
0x28: {  	s2 =	sld [smem:$0x3FAE]  }
0x29: {  	s4 =	sld [smem:$0x3FB0]  }
0x2a: {  	p0 =	seq.s32 s5, $0x0;
	s5 =	sld [smem:$0x3FB1]  }
0x2b: {  	s6 =	sld [smem:$0x3FB2]  }
0x2c: {  	s7 =	sld [smem:$0x3FB3]  }
0x2d: {  	s3 =	simm.s32 $0x108;
	s8 =	sld [smem:$0x3FB4]  }
0x2e: {  	s3 =	simm.s32 @!p0 $0x1082;
	s9 =	sld [smem:$0x3FB5]  }
0x2f: {  	lr =	sadd.s32 s0, s3;
	s0 =	sld [smem:$0x3FAC]  }
0x30: {  	s3 =	sld [smem:$0x3FAF]  }
0x31: {  	[smem:$0x3FB8] =	sst s10  }
0x32: {  	s10 =	sld [smem:$0x3FB6];
	_ =	sdelay $0x3  }
0x33: {  	p0 =	seq.s32 s10, $0x1;
	s10 =	sld [smem:$0x3FB8];
	_ =	sdelay $0x3  }
0x34: {  	[smem:$0x3FB8] =	sst s10  }
0x35: {  	s10 =	sld [smem:$0x3FB7];
	_ =	sdelay $0x3  }
0x36: {  	p1 =	seq.s32 s10, $0x1;
	s10 =	sld [smem:$0x3FB8];
	_ =	sdelay $0x3  }
0x37: {  	[smem:$0x3FB8] =	sst s10  }
0x38: {  	s10 =	sld [smem:$0x3FB9]  }
0x39: {  	_ = 	snop;
	(pc) =	sbr.ind lr, $3  }
0x3a: {  	_ = 	snop  }
0x3b: {  	_ = 	snop  }
0x3c: {  	p2 =	seq.s32 s10, $0x1;
	s10 =	sld [smem:$0x3FB8]  }
0x3d: {  	_ =	shalt  }
0x3e: {  	_ =	shalt  }
0x3f: {  	_ =	shalt  }
0x40: {  	_ =	shalt  }
0x41: {  	_ =	shalt  }
0x42: {  	_ =	shalt  }
0x43: {  	_ =	shalt  }
0x44: {  	_ =	shalt  }
0x45: {  	_ =	shalt  }
0x46: {  	_ =	shalt  }
0x47: {  	_ =	shalt  }
0x48: {  	_ =	shalt  }
0x49: {  	_ =	shalt  }
0x4a: {  	_ =	shalt  }
0x4b: {  	_ =	shalt  }
0x4c: {  	_ =	shalt  }
0x4d: {  	_ =	shalt  }
0x4e: {  	_ =	shalt  }
0x4f: {  	_ =	shalt  }
0x50: {  	_ =	shalt  }
0x51: {  	_ =	shalt  }
0x52: {  	_ =	shalt  }
0x53: {  	_ =	shalt  }
0x54: {  	_ =	shalt  }
0x55: {  	_ =	shalt  }
0x56: {  	_ =	shalt  }
0x57: {  	_ =	shalt  }
0x58: {  	_ =	shalt  }
0x59: {  	_ =	shalt  }
0x5a: {  	_ =	shalt  }
0x5b: {  	_ =	shalt  }
0x5c: {  	_ =	shalt  }
0x5d: {  	_ =	shalt  }
0x5e: {  	_ =	shalt  }
0x5f: {  	_ =	shalt  }
0x60: {  	_ =	shalt  }
0x61: {  	_ =	shalt  }
0x62: {  	_ =	shalt  }
0x63: {  	_ =	shalt  }
0x64: {  	_ =	shalt  }
0x65: {  	_ =	shalt  }
0x66: {  	_ =	shalt  }
0x67: {  	_ =	shalt  }
0x68: {  	_ =	shalt  }
0x69: {  	_ =	shalt  }
0x6a: {  	_ =	shalt  }
0x6b: {  	_ =	shalt  }
0x6c: {  	_ =	shalt  }
0x6d: {  	_ =	shalt  }
0x6e: {  	_ =	shalt  }
0x6f: {  	_ =	shalt  }
0x70: {  	_ =	shalt  }
0x71: {  	_ =	shalt  }
0x72: {  	_ =	shalt  }
0x73: {  	_ =	shalt  }
0x74: {  	_ =	shalt  }
0x75: {  	_ =	shalt  }
0x76: {  	_ =	shalt  }
0x77: {  	_ =	shalt  }
0x78: {  	_ =	shalt  }
0x79: {  	_ =	shalt  }
0x7a: {  	_ =	shalt  }
0x7b: {  	_ =	shalt  }
0x7c: {  	_ =	shalt  }
0x7d: {  	_ =	shalt  }
0x7e: {  	_ =	shalt  }
0x7f: {  	_ =	shalt  }
0x80: {  	_ =	shalt  }
0x81: {  	_ =	shalt  }
0x82: {  	_ =	shalt  }
0x83: {  	_ =	shalt  }
0x84: {  	_ =	shalt  }
0x85: {  	_ =	shalt  }
0x86: {  	_ =	shalt  }
0x87: {  	_ =	shalt  }
.Lfunc_end0:
.L_simem_size_0:
called_computation_lowered:
.L_overlay_start_0:
0x88: {  	s2 =	sld [smem:$0x3FD9]  }
0x89: {  	s3 =	sld [smem:$0x3FFE];
	_ =	sdelay $0x1  }
0x8a: {  	s1 =	srdreg.scid  }
0x8b: {  	s0 =	sand.u32 $0x1, s1  }
0x8c: {  	s14 =	sshll.u32 s0, $0xA;
	s2 =	sadd.s32 s3, s2  }
0x8d: {  	s2 =	sadd.s32 s2, s14  }
0x8e: {  	[smem:$0x3FC4] =	sst s2  }
0x8f: {  	_ = 	snop  }
0x90: {  	s2 =	sld [smem:$0x3FD0];
	_ =	sdelay $0x2  }
0x91: {  	s15 =	simm.s32 $0xA;
	s4 =	simm.s32 $0x10  }
0x92: {  	[smem:s4], [sflag:s15] =	dma.local [hbm:s2], $0x1  }
0x93: {  	_ =	swait.eq [sflag:s15], $0x1  }
0x94: {  	s16 =	sld [smem:$0x10];
	[sflag:s15] =	ssyncset.done $0x0  }
0x95: {  	s17 =	sld [smem:$0x11];
	[sflag:s15] =	ssyncadd.s32 $0xFFFFFFFF  }
0x96: {  	s18 =	sld [smem:$0x12];
	(tm) =	ssettm $0x1  }
0x97: {  	s5 =	sld [smem:$0x3FFB];
	_ =	sdelay $0x3  }
0x98: {  	_ =	strace s5  }
0x99: {  	s5 =	sld [smem:$0x3FFC];
	_ =	sdelay $0x3  }
0x9a: {  	_ =	strace s5  }
0x9b: {  	s5 =	sld [smem:$0x3FFD];
	_ =	sdelay $0x3  }
0x9c: {  	_ =	strace s5  }
0x9d: {  	_ =	strace $0x8FFFFFFF  }
0x9e: {  	s19 =	sld [smem:$0x3FDB];
	_ =	sdelay $0x1  }
0x9f: {  	s6 =	simm.s32 $_scs_section_size  }
0xa0: {  	s7 =	simm.s32 $_size__tile_overlayer_lowered;
	s8 =	simm.s32 $_tile_overlayer_lowered  }
0xa1: {  	s22 =	simm.s32 $0x1BFF;
	s21 =	sshll.u32 s8, $0x1;
	s5 =	sadd.s32 s6, s19  }
0xa2: {  	s9 =	simm.s32 $0x0;
	s20 =	sshll.u32 s7, $0x1;
	s7 =	sadd.s32 s21, s5  }
0xa3: {  	[timem:s9], [sflag:s22] =	dma.local [hbm:s7], s20  }
0xa4: {  	_ =	swait.ge [sflag:s22], s20  }
0xa5: {  	s6 =	ssub.s32 $0x0, s20;
	[sflag:s22] =	ssyncset.done $0x0  }
0xa6: {  	[sflag:s22] =	ssyncadd.s32 s6;
	_ =	sdelay $0x1  }
0xa7: {  	s23 =	simm.s32 $0x1B8B  }
0xa8: {  	_ =	swait.ge [sflag:s23], $0x1  }
0xa9: {  	[sflag:s23] =	ssyncset.done $0x0  }
0xaa: {  	s25 =	simm.s32 $0x1B8E;
	s24 =	sld [smem:$0x3FFE];
	[sflag:s23] =	ssyncadd.s32 $0xFFFFFFFF  }
0xab: {  	s26 =	simm.s32 $execute0_lowered;
	[smem:$0x3FD2] =	sst s25  }
0xac: {  	s7 =	sshll.u32 s26, $0x1;
	_ =	strace $0x80000046;
	[dreg:$0x1] =	wrdreg $0xFFFFFFFF  }
0xad: {  	s28 =	simm.s32 $_size_execute0_lowered;
	s5 =	sadd.s32 s5, s7;
	[dreg:$0x0] =	wrdreg $0x0  }
0xae: {  	s7 =	sshll.u32 s28, $0x1;
	[dreg:$0x2] =	wrdreg s5  }
0xaf: {  	[dreg:$0x3] =	wrdreg s7  }
0xb0: {  	[dreg:$0x4] =	wrdreg $0xC0  }
0xb1: {  	_ =	task [dreg:s9], $0x5FFFF  }
0xb2: {  	[dreg:$0x1] =	wrdreg $0xFFFFFFFF  }
0xb3: {  	[dreg:$0x0] =	wrdreg $0x60  }
0xb4: {  	[dreg:$0x2] =	wrdreg s16  }
0xb5: {  	[dreg:$0x3] =	wrdreg s17  }
0xb6: {  	[dreg:$0x4] =	wrdreg s24  }
0xb7: {  	[dreg:$0x5] =	wrdreg s18  }
0xb8: {  	[dreg:$0x6] =	wrdreg $0x9  }
0xb9: {  	_ =	task.clear_ibuf [dreg:s9], $0x7FFFF;
	_ =	strace $0x90000046  }
0xba: {  	s29 =	simm.s32 $0x9;
	_ =	strace $0x80000048  }
0xbb: {  	_ =	swait.ge [sflag:s29], $0x1  }
0xbc: {  	[sflag:s29] =	ssyncadd.s32 $0xFFFFFFFF  }
0xbd: {  	_ =	strace $0x90000048  }
0xbe: {  	_ =	sfence  }
0xbf: {  	s30 =	sld [smem:$0x0];
	_ =	sdelay $0x2  }
0xc0: {  	s31 =	sshll.u32 s1, $0xD;
	s1 =	sshrl.u32 s1, $0x2  }
0xc1: {  	s3 =	sand.u32 $0x4000, s31;
	s1 =	sadd.s32 s1, s30  }
0xc2: {  	s0 =	sor.u32 s3, s0;
	s1 =	sshll.u32 s1, $0x11  }
0xc3: {  	s0 =	sor.u32 s1, s0  }
0xc4: {  	s0 =	sadd.s32 $0x8F2B, s0  }
0xc5: {  	[sflag:s0] =	ssyncadd.remote.s32 $0x1  }
0xc6: {  	_ =	sfence.sel $0xFFFF  }
0xc7: {  	[dreg:$0x0] =	wrdreg $0xFFFFFFFF;
	(pc) =	sbr.abs _section_cstart, $3  }
0xc8: {  	[dreg:$0x1] =	wrdreg $0xFFFFFFFF  }
0xc9: {  	_ =	task.clear_ibuf [dreg:s9], $0x2FFFF;
	_ =	strace $0x9FFFFFFF  }
0xca: {  	(tm) =	ssettm $0x7FFFFFFF  }
0xcb: {  	_ =	shalt  }
tec
execute0_lowered:
.L_overlay_start_1:
0x0: {  	(tag) =	ssettag $0x1  }
0x1: {  	s5 =	rddreg [dreg:$0x0]  }
0x2: {  	s1 =	rddreg [dreg:$0x1]  }
0x3: {  	s4 =	rddreg [dreg:$0x2]  }
0x4: {  	s2 =	srdreg.scid;
	s0 =	stileid.u32  }
0x5: {  	s6 =	rddreg [dreg:$0x3];
	s3 =	simm.s32 $0x0;
	s11 =	simm.s32 $0x0  }
0x6: {  	s7 =	sand.u32 $0x1, s2;
	s8 =	sshll.u32 s0, $0x1;
	s2 =	rddreg [dreg:$0x4]  }
0x7: {  	[smem:$0x7FF] =	sst s3;
	s8 =	sor.u32 s7, s8;
	s7 =	ssub.s32 $0x2, s7  }
0x8: {  	s4 =	sadd.s32 $0x1400, s4;
	_ =	strace $0x80000047;
	s10 =	sshrl.u32 s7, $0x1  }
0x9: {  	s9 =	smul.u32 $0x50, s8;
	s8 =	sshll.u32 s8, $0x9;
	s7 =	ssub.s32 s7, s10  }
0xa: {  	s6 =	sadd.s32 s6, s8;
	s8 =	simm.s32 $0x1000;
	s10 =	simm.s32 $0x1280  }
0xb: {  	v0 =	vimm.f32 $1.000000000e+00;
	s5 =	sadd.s32 s5, s9;
	s7 =	smax.u32 s7, $0x1;
	s9 =	simm.s32 $0x1  }
.LBB2_1:
0xc: {  	[tilespmem:s8], [sflag:$0x1] =	stream.linear.gather [hbm4b:s5+s3], $0x280, $0x38;
	[tilespmem:$0x1500] =	vst v63  }
0xd: {  	_ =	swait.ge [sflag:s9], $0x280  }
0xe: {  	[sflag:s9] =	ssyncset.done $0x0  }
0xf: {  	[sflag:s9] =	ssyncadd.s32 $0xFFFFFD80  }
0x10: {  	[tilespmem:s10], [sflag:$0x1] =	stream.linear.gather [hbm4b:s1+s3], $0x280, $0x38;
	[tilespmem:$0x1500] =	vst v63  }
0x11: {  	_ =	swait.ge [sflag:s9], $0x280  }
0x12: {  	[sflag:s9] =	ssyncset.done $0x0  }
0x13: {  	[sflag:s9] =	ssyncadd.s32 $0xFFFFFD80  }
0x14: {  	[tilespmem:s3], [sflag:$0x1] =	stream.linear.gather [hbm4b:s4+s3], $0x1000, $0x38;
	[tilespmem:$0x1500] =	vst v63  }
0x15: {  	_ =	swait.ge [sflag:s9], $0x1000  }
0x16: {  	[sflag:s9] =	ssyncset.done $0x0  }
0x17: {  	s13 =	simm.s32 $0x0;
	s12 =	simm.s32 $0x40;
	[sflag:s9] =	ssyncadd.s32 $0xFFFFF000  }
.LBB2_2:
0x18: {  	p0 =	sne.s32 s12, $0x9C0;
	v1 =	vld [tilespmem:s13+$0x1000];
	_ =	sdelay $0x2  }
0x19: {  	v2 =	vld [tilespmem:s13+$0x1280];
	_ =	sdelay $0x1  }
0x1a: {  	vm0 =	vgt.s32 v1, $0x0  }
0x1b: {  	v1 =	vnsel vm0, $0x0, v1  }
0x1c: {  	v1 =	vmin.u32 v1, $0x7F  }
0x1d: {  	v1 =	vadd.s32 v2, v1  }
.Ltmp0:
0x1e: {  	(pc) =	sbr.rel @p0 .LBB2_2-.Ltmp0, $2  }
0x1f: {  	_ =	sdelay $0x2  }
0x20: {  	s13 =	sshra.s32 s12, $0x2;
	s12 =	sadd.s32 $0x40, s12;
	[tilespmem:v1+s3+$0x0] =	vst.idx.msk $0xffff, v0  }
0x21: {  	v1 =	vld [tilespmem:s13+$0x1000];
	_ =	sdelay $0x2  }
0x22: {  	v2 =	vld [tilespmem:s13+$0x1280];
	_ =	sdelay $0x1  }
0x23: {  	vm0 =	vgt.s32 v1, $0x0  }
0x24: {  	v1 =	vnsel vm0, $0x0, v1  }
0x25: {  	v1 =	vmin.u32 v1, $0x7F  }
0x26: {  	v1 =	vadd.s32 v2, v1;
	_ =	sdelay $0x2  }
0x27: {  	s11 =	sadd.s32 $0x1, s11  }
0x28: {  	p0 =	sne.s32 s11, s7  }
.Ltmp1:
0x29: {  	[tilespmem:v1+s3+$0x0] =	vst.idx.msk $0xffff, v0;
	(pc) =	sbr.rel @p0 .LBB2_1-.Ltmp1, $4  }
0x2a: {  	[hbm4b:s6+s3] =	stream.linear.scatter [tilespmem:s3], [sflag:$0x1], $0x1000, $0x38;
	[tilespmem:$0x1500] =	vst v63  }
0x2b: {  	_ =	swait.ge [sflag:s9], $0x1000  }
0x2c: {  	[sflag:s9] =	ssyncset.done $0x0  }
0x2d: {  	[sflag:s9] =	ssyncadd.s32 $0xFFFFF000  }
0x2e: {  	_ =	sfence.sel $0x180000  }
0x2f: {  	[bflag:$0x0] =	sbarrier.arrive $0xFFFF  }
0x30: {  	p0 =	sne.s32 s0, $0x0;
	_ =	strace $0x90000047  }
0x31: {  	s0 =	sadd.s32 @!p0 $0x100000, s2;
	[bflag:$0x2] =	sbarrier.arrive $0xFFFF  }
0x32: {  	[sflag:s0] =	ssyncadd.tile.s32 @!p0 $0x1;
	_ =	shalt  }
.Lfunc_end2:
_tile_overlayer_lowered:
.L_overlay_start_2:
0x33: {  	(tag) =	ssettag $0x2  }
0x34: {  	s0 =	rddreg [dreg:$0x0];
	s2 =	stileid.u32  }
0x35: {  	s1 =	rddreg [dreg:$0x1];
	p0 =	sne.s32 s2, $0x0  }
0x36: {  	s3 =	rddreg [dreg:$0x2];
	[bflag:$0x3] =	sbarrier.arrive $0xFFFF;
	s2 =	simm.s32 @!p0 $0x1C01  }
0x37: {  	[timem:s3], [sflag:s2] =	dma.local @!p0 [hbm:s0], s1  }
0x38: {  	s0 =	simm.s32 @!p0 $0x1  }
0x39: {  	_ =	swait.ge @!p0 [sflag:s0], s1  }
0x3a: {  	s1 =	ssub.s32 @!p0 $0x0, s1;
	[sflag:s0] =	ssyncset.done @!p0 $0x0  }
0x3b: {  	[sflag:s0] =	ssyncadd.s32 @!p0 s1  }
0x3c: {  	[bflag:$0x3] =	sbarrier.arrive $0xFFFF  }
0x3d: {  	_ =	shalt  }

</sc_bundles>
